<compile_context>
chip_gen: v7x
topology: tpu7x:2x2x1
jax: 0.10.2.dev20260603
libtpu: 0.0.44.dev20260713+nightly
codegen_flags: <defaults>
</compile_context>

<pallas_src>
import jax
import jax.numpy as jnp
from jax import lax
from jax.experimental import pallas as pl
from jax.experimental.pallas import tpu as pltpu
from jax.experimental.pallas import tpu_sc as plsc

EMB_DIM = 32
BATCH = 16384

_NC = 2
_NS = 16
_NW = _NC * _NS
_BPW = BATCH // _NW
_CHUNK = 128


def _emb_body(loc_idx_hbm, user_idx_hbm, w_loc_hbm, w_user_hbm,
              out_loc_hbm, out_user_hbm,
              idx_loc_v, idx_user_v, loc_v, user_v, sem):
    wid = lax.axis_index("s") * _NC + lax.axis_index("c")
    base = wid * _BPW

    pltpu.sync_copy(loc_idx_hbm.at[pl.ds(base, _BPW)], idx_loc_v)
    pltpu.sync_copy(user_idx_hbm.at[pl.ds(base, _BPW)], idx_user_v)

    copies = []
    for j in range(_BPW // _CHUNK):
        sl = pl.ds(j * _CHUNK, _CHUNK)
        copies.append(pltpu.async_copy(
            w_loc_hbm.at[idx_loc_v.at[sl]], loc_v.at[sl], sem))
        copies.append(pltpu.async_copy(
            w_user_hbm.at[idx_user_v.at[sl]], user_v.at[sl], sem))
    for c in copies:
        c.wait()

    pltpu.sync_copy(loc_v, out_loc_hbm.at[pl.ds(base, _BPW)])
    pltpu.sync_copy(user_v, out_user_hbm.at[pl.ds(base, _BPW)])


@jax.jit
def _run(user_location, user_item, W_loc, W_user):
    mesh = plsc.VectorSubcoreMesh(core_axis_name="c", subcore_axis_name="s")
    w_loc3 = W_loc.reshape(W_loc.shape[0], 2, EMB_DIM // 2)
    w_user3 = W_user.reshape(W_user.shape[0], 2, EMB_DIM // 2)
    out_loc, out_user = pl.kernel(
        _emb_body,
        out_type=(
            jax.ShapeDtypeStruct((BATCH, 2, EMB_DIM // 2), jnp.float32),
            jax.ShapeDtypeStruct((BATCH, 2, EMB_DIM // 2), jnp.float32),
        ),
        mesh=mesh,
        scratch_types=[
            pltpu.VMEM((_BPW,), jnp.int32),
            pltpu.VMEM((_BPW,), jnp.int32),
            pltpu.VMEM((_BPW, 2, EMB_DIM // 2), jnp.float32),
            pltpu.VMEM((_BPW, 2, EMB_DIM // 2), jnp.float32),
            pltpu.SemaphoreType.DMA,
        ],
        compiler_params=pltpu.CompilerParams(use_tc_tiling_on_sc=False),
    )(user_location, user_item, w_loc3, w_user3)
    return jnp.concatenate(
        [out_loc.reshape(BATCH, EMB_DIM), out_user.reshape(BATCH, EMB_DIM)],
        axis=1)


def kernel(user_location, user_item, W_loc, W_user):
    return _run(user_location.astype(jnp.int32), user_item.astype(jnp.int32),
                W_loc, W_user)

# --- scband reference (transcript-rebuilt; emitter-appended) ---
"""Pipeline reference for scband-user-embedding-model-88639535055143 (READ-ONLY COPY).

The authoritative reference and input builder live on the scoring server;
editing this copy changes nothing except your own understanding.
"""

import jax, jax.numpy as jnp
import numpy as np

LOC_VOCAB = 20000
USER_VOCAB = 1000000
EMB_DIM = 32
BATCH = 16384

def setup_inputs(seed: int = 0) -> dict:
    key = jax.random.key(seed)
    k1, k2, k3, k4 = jax.random.split(key, 4)
    user_location = jax.random.randint(k1, (BATCH,), 0, LOC_VOCAB, dtype=jnp.int64 if jax.config.jax_enable_x64 else jnp.int32)
    user_item = jax.random.randint(k2, (BATCH,), 0, USER_VOCAB, dtype=jnp.int64 if jax.config.jax_enable_x64 else jnp.int32)
    # Embedding tables (keras Embedding default init ~ uniform(-0.05, 0.05))
    W_loc = jax.random.uniform(k3, (LOC_VOCAB, EMB_DIM), dtype=jnp.float32, minval=-0.05, maxval=0.05)
    W_user = jax.random.uniform(k4, (USER_VOCAB, EMB_DIM), dtype=jnp.float32, minval=-0.05, maxval=0.05)
    return {"user_location": user_location, "user_item": user_item, "W_loc": W_loc, "W_user": W_user}

def reference(user_location, user_item, W_loc, W_user):
    # location branch: Hashing(20000 bins) -> Embedding; indices already hashed into range
    loc_emb = jnp.take(W_loc, user_location, axis=0)
    # user_id branch: Hashing(1000000 bins) -> Embedding
    user_emb = jnp.take(W_user, user_item, axis=0)
    return jnp.concatenate([loc_emb, user_emb], axis=1)

if __name__ == "__main__":
    import jax
    _d = setup_inputs()
    print(jax.jit(kernel)(*tuple(_d.values())))

</pallas_src>

<mosaic_0001>
#map = affine_map<(d0, d1) -> (0)>
#map1 = affine_map<(d0, d1) -> (0, 0, 0)>
module attributes {stable_mosaic.version = 14 : i64} {
  func.func @_emb_body(%arg0: i32, %arg1: i32, %arg2: memref<16384xi32, #tpu.memory_space<hbm>>, %arg3: memref<16384xi32, #tpu.memory_space<hbm>>, %arg4: memref<20000x2x16xf32, #tpu.memory_space<hbm>>, %arg5: memref<1000000x2x16xf32, #tpu.memory_space<hbm>>, %arg6: memref<16384x2x16xf32, #tpu.memory_space<hbm>>, %arg7: memref<16384x2x16xf32, #tpu.memory_space<hbm>>, %arg8: memref<512xi32, #tpu.memory_space<vmem>>, %arg9: memref<512xi32, #tpu.memory_space<vmem>>, %arg10: memref<512x2x16xf32, #tpu.memory_space<vmem>>, %arg11: memref<512x2x16xf32, #tpu.memory_space<vmem>>, %arg12: memref<!tpu.dma_semaphore, #tpu.memory_space<semaphore_mem>>) attributes {dimension_semantics = [#tpu.dimension_semantics<core_parallel>, #tpu.dimension_semantics<subcore_parallel>], iteration_bounds = array<i64: 2, 16>, scalar_prefetch = 0 : i64, scratch_operands = 5 : i64, tpu.core_type = #tpu.core_type<sc_vector_subcore>, window_params = [{transform_indices = #map}, {transform_indices = #map}, {transform_indices = #map1}, {transform_indices = #map1}, {transform_indices = #map1}, {transform_indices = #map1}]} {
    %mul3A = arith.constant 2 : i32
    %mul3A_0 = arith.muli %arg1, %mul3A : i32
    %add3A = arith.addi %mul3A_0, %arg0 : i32
    %mul3A_1 = arith.constant 512 : i32
    %mul3A_2 = arith.muli %add3A, %mul3A_1 : i32
    "tpu.region"() ({
      %run_scoped3A = tpu.sem_alloc : memref<!tpu.dma_semaphore, #tpu.memory_space<semaphore_mem>>
      %dma_start3A_161 = tpu.memref_slice %arg2[%mul3A_2] : memref<16384xi32, #tpu.memory_space<hbm>> -> memref<512xi32, #tpu.memory_space<hbm>>
      %dma_start3A_162 = tpu.memref_slice %arg2[%mul3A_2] : memref<16384xi32, #tpu.memory_space<hbm>> -> memref<512xi32, #tpu.memory_space<hbm>>
      tpu.enqueue_dma source(%dma_start3A_162 : memref<512xi32, #tpu.memory_space<hbm>>) target(%arg8 : memref<512xi32, #tpu.memory_space<vmem>>) target_semaphore(%run_scoped3A : memref<!tpu.dma_semaphore, #tpu.memory_space<semaphore_mem>>)
      %dma_wait3A_163 = tpu.memref_slice %arg2[%mul3A_2] : memref<16384xi32, #tpu.memory_space<hbm>> -> memref<512xi32, #tpu.memory_space<hbm>>
      %dma_wait3A_164 = tpu.memref_slice %arg2[%mul3A_2] : memref<16384xi32, #tpu.memory_space<hbm>> -> memref<512xi32, #tpu.memory_space<hbm>>
      tpu.wait_dma2 semaphore(%run_scoped3A : memref<!tpu.dma_semaphore, #tpu.memory_space<semaphore_mem>>) src(%dma_wait3A_164 : memref<512xi32, #tpu.memory_space<hbm>>) dst(%arg8 : memref<512xi32, #tpu.memory_space<vmem>>)
      tpu.yield
    }) : () -> ()
    "tpu.region"() ({
      %run_scoped3A = tpu.sem_alloc : memref<!tpu.dma_semaphore, #tpu.memory_space<semaphore_mem>>
      %dma_start3A_161 = tpu.memref_slice %arg3[%mul3A_2] : memref<16384xi32, #tpu.memory_space<hbm>> -> memref<512xi32, #tpu.memory_space<hbm>>
      %dma_start3A_162 = tpu.memref_slice %arg3[%mul3A_2] : memref<16384xi32, #tpu.memory_space<hbm>> -> memref<512xi32, #tpu.memory_space<hbm>>
      tpu.enqueue_dma source(%dma_start3A_162 : memref<512xi32, #tpu.memory_space<hbm>>) target(%arg9 : memref<512xi32, #tpu.memory_space<vmem>>) target_semaphore(%run_scoped3A : memref<!tpu.dma_semaphore, #tpu.memory_space<semaphore_mem>>)
      %dma_wait3A_163 = tpu.memref_slice %arg3[%mul3A_2] : memref<16384xi32, #tpu.memory_space<hbm>> -> memref<512xi32, #tpu.memory_space<hbm>>
      %dma_wait3A_164 = tpu.memref_slice %arg3[%mul3A_2] : memref<16384xi32, #tpu.memory_space<hbm>> -> memref<512xi32, #tpu.memory_space<hbm>>
      tpu.wait_dma2 semaphore(%run_scoped3A : memref<!tpu.dma_semaphore, #tpu.memory_space<semaphore_mem>>) src(%dma_wait3A_164 : memref<512xi32, #tpu.memory_space<hbm>>) dst(%arg9 : memref<512xi32, #tpu.memory_space<vmem>>)
      tpu.yield
    }) : () -> ()
    %dma_start3A = arith.constant 0 : i32
    %dma_start3A_3 = arith.constant 0 : i32
    %dma_start3A_4 = arith.constant 0 : i32
    %dma_start3A_5 = tpu.memref_slice %arg10[%dma_start3A, %dma_start3A_3, %dma_start3A_4] : memref<512x2x16xf32, #tpu.memory_space<vmem>> -> memref<128x2x16xf32, #tpu.memory_space<vmem>>
    %dma_start3A_6 = arith.constant 0 : i32
    %dma_start3A_7 = tpu.memref_slice %arg8[%dma_start3A_6] : memref<512xi32, #tpu.memory_space<vmem>> -> memref<128xi32, #tpu.memory_space<vmem>>
    %dma_start3A_8 = arith.constant 0 : i32
    %dma_start3A_9 = arith.constant 0 : i32
    %dma_start3A_10 = arith.constant 0 : i32
    %dma_start3A_11 = tpu.memref_slice %arg4[%dma_start3A_8, %dma_start3A_9, %dma_start3A_10] : memref<20000x2x16xf32, #tpu.memory_space<hbm>> -> memref<20000x2x16xf32, #tpu.memory_space<hbm>>
    tpu.enqueue_indirect_dma source(%dma_start3A_11 : memref<20000x2x16xf32, #tpu.memory_space<hbm>>) target(%dma_start3A_5 : memref<128x2x16xf32, #tpu.memory_space<vmem>>) offsets(%dma_start3A_7 : memref<128xi32, #tpu.memory_space<vmem>>) semaphore(%arg12 : memref<!tpu.dma_semaphore, #tpu.memory_space<semaphore_mem>>)
    %dma_start3A_12 = arith.constant 0 : i32
    %dma_start3A_13 = arith.constant 0 : i32
    %dma_start3A_14 = arith.constant 0 : i32
    %dma_start3A_15 = tpu.memref_slice %arg11[%dma_start3A_12, %dma_start3A_13, %dma_start3A_14] : memref<512x2x16xf32, #tpu.memory_space<vmem>> -> memref<128x2x16xf32, #tpu.memory_space<vmem>>
    %dma_start3A_16 = arith.constant 0 : i32
    %dma_start3A_17 = tpu.memref_slice %arg9[%dma_start3A_16] : memref<512xi32, #tpu.memory_space<vmem>> -> memref<128xi32, #tpu.memory_space<vmem>>
    %dma_start3A_18 = arith.constant 0 : i32
    %dma_start3A_19 = arith.constant 0 : i32
    %dma_start3A_20 = arith.constant 0 : i32
    %dma_start3A_21 = tpu.memref_slice %arg5[%dma_start3A_18, %dma_start3A_19, %dma_start3A_20] : memref<1000000x2x16xf32, #tpu.memory_space<hbm>> -> memref<1000000x2x16xf32, #tpu.memory_space<hbm>>
    tpu.enqueue_indirect_dma source(%dma_start3A_21 : memref<1000000x2x16xf32, #tpu.memory_space<hbm>>) target(%dma_start3A_15 : memref<128x2x16xf32, #tpu.memory_space<vmem>>) offsets(%dma_start3A_17 : memref<128xi32, #tpu.memory_space<vmem>>) semaphore(%arg12 : memref<!tpu.dma_semaphore, #tpu.memory_space<semaphore_mem>>)
    %dma_start3A_22 = arith.constant 128 : i32
    %dma_start3A_23 = arith.constant 0 : i32
    %dma_start3A_24 = arith.constant 0 : i32
    %dma_start3A_25 = tpu.memref_slice %arg10[%dma_start3A_22, %dma_start3A_23, %dma_start3A_24] : memref<512x2x16xf32, #tpu.memory_space<vmem>> -> memref<128x2x16xf32, #tpu.memory_space<vmem>>
    %dma_start3A_26 = arith.constant 128 : i32
    %dma_start3A_27 = tpu.memref_slice %arg8[%dma_start3A_26] : memref<512xi32, #tpu.memory_space<vmem>> -> memref<128xi32, #tpu.memory_space<vmem>>
    %dma_start3A_28 = arith.constant 0 : i32
    %dma_start3A_29 = arith.constant 0 : i32
    %dma_start3A_30 = arith.constant 0 : i32
    %dma_start3A_31 = tpu.memref_slice %arg4[%dma_start3A_28, %dma_start3A_29, %dma_start3A_30] : memref<20000x2x16xf32, #tpu.memory_space<hbm>> -> memref<20000x2x16xf32, #tpu.memory_space<hbm>>
    tpu.enqueue_indirect_dma source(%dma_start3A_31 : memref<20000x2x16xf32, #tpu.memory_space<hbm>>) target(%dma_start3A_25 : memref<128x2x16xf32, #tpu.memory_space<vmem>>) offsets(%dma_start3A_27 : memref<128xi32, #tpu.memory_space<vmem>>) semaphore(%arg12 : memref<!tpu.dma_semaphore, #tpu.memory_space<semaphore_mem>>)
    %dma_start3A_32 = arith.constant 128 : i32
    %dma_start3A_33 = arith.constant 0 : i32
    %dma_start3A_34 = arith.constant 0 : i32
    %dma_start3A_35 = tpu.memref_slice %arg11[%dma_start3A_32, %dma_start3A_33, %dma_start3A_34] : memref<512x2x16xf32, #tpu.memory_space<vmem>> -> memref<128x2x16xf32, #tpu.memory_space<vmem>>
    %dma_start3A_36 = arith.constant 128 : i32
    %dma_start3A_37 = tpu.memref_slice %arg9[%dma_start3A_36] : memref<512xi32, #tpu.memory_space<vmem>> -> memref<128xi32, #tpu.memory_space<vmem>>
    %dma_start3A_38 = arith.constant 0 : i32
    %dma_start3A_39 = arith.constant 0 : i32
    %dma_start3A_40 = arith.constant 0 : i32
    %dma_start3A_41 = tpu.memref_slice %arg5[%dma_start3A_38, %dma_start3A_39, %dma_start3A_40] : memref<1000000x2x16xf32, #tpu.memory_space<hbm>> -> memref<1000000x2x16xf32, #tpu.memory_space<hbm>>
    tpu.enqueue_indirect_dma source(%dma_start3A_41 : memref<1000000x2x16xf32, #tpu.memory_space<hbm>>) target(%dma_start3A_35 : memref<128x2x16xf32, #tpu.memory_space<vmem>>) offsets(%dma_start3A_37 : memref<128xi32, #tpu.memory_space<vmem>>) semaphore(%arg12 : memref<!tpu.dma_semaphore, #tpu.memory_space<semaphore_mem>>)
    %dma_start3A_42 = arith.constant 256 : i32
    %dma_start3A_43 = arith.constant 0 : i32
    %dma_start3A_44 = arith.constant 0 : i32
    %dma_start3A_45 = tpu.memref_slice %arg10[%dma_start3A_42, %dma_start3A_43, %dma_start3A_44] : memref<512x2x16xf32, #tpu.memory_space<vmem>> -> memref<128x2x16xf32, #tpu.memory_space<vmem>>
    %dma_start3A_46 = arith.constant 256 : i32
    %dma_start3A_47 = tpu.memref_slice %arg8[%dma_start3A_46] : memref<512xi32, #tpu.memory_space<vmem>> -> memref<128xi32, #tpu.memory_space<vmem>>
    %dma_start3A_48 = arith.constant 0 : i32
    %dma_start3A_49 = arith.constant 0 : i32
    %dma_start3A_50 = arith.constant 0 : i32
    %dma_start3A_51 = tpu.memref_slice %arg4[%dma_start3A_48, %dma_start3A_49, %dma_start3A_50] : memref<20000x2x16xf32, #tpu.memory_space<hbm>> -> memref<20000x2x16xf32, #tpu.memory_space<hbm>>
    tpu.enqueue_indirect_dma source(%dma_start3A_51 : memref<20000x2x16xf32, #tpu.memory_space<hbm>>) target(%dma_start3A_45 : memref<128x2x16xf32, #tpu.memory_space<vmem>>) offsets(%dma_start3A_47 : memref<128xi32, #tpu.memory_space<vmem>>) semaphore(%arg12 : memref<!tpu.dma_semaphore, #tpu.memory_space<semaphore_mem>>)
    %dma_start3A_52 = arith.constant 256 : i32
    %dma_start3A_53 = arith.constant 0 : i32
    %dma_start3A_54 = arith.constant 0 : i32
    %dma_start3A_55 = tpu.memref_slice %arg11[%dma_start3A_52, %dma_start3A_53, %dma_start3A_54] : memref<512x2x16xf32, #tpu.memory_space<vmem>> -> memref<128x2x16xf32, #tpu.memory_space<vmem>>
    %dma_start3A_56 = arith.constant 256 : i32
    %dma_start3A_57 = tpu.memref_slice %arg9[%dma_start3A_56] : memref<512xi32, #tpu.memory_space<vmem>> -> memref<128xi32, #tpu.memory_space<vmem>>
    %dma_start3A_58 = arith.constant 0 : i32
    %dma_start3A_59 = arith.constant 0 : i32
    %dma_start3A_60 = arith.constant 0 : i32
    %dma_start3A_61 = tpu.memref_slice %arg5[%dma_start3A_58, %dma_start3A_59, %dma_start3A_60] : memref<1000000x2x16xf32, #tpu.memory_space<hbm>> -> memref<1000000x2x16xf32, #tpu.memory_space<hbm>>
    tpu.enqueue_indirect_dma source(%dma_start3A_61 : memref<1000000x2x16xf32, #tpu.memory_space<hbm>>) target(%dma_start3A_55 : memref<128x2x16xf32, #tpu.memory_space<vmem>>) offsets(%dma_start3A_57 : memref<128xi32, #tpu.memory_space<vmem>>) semaphore(%arg12 : memref<!tpu.dma_semaphore, #tpu.memory_space<semaphore_mem>>)
    %dma_start3A_62 = arith.constant 384 : i32
    %dma_start3A_63 = arith.constant 0 : i32
    %dma_start3A_64 = arith.constant 0 : i32
    %dma_start3A_65 = tpu.memref_slice %arg10[%dma_start3A_62, %dma_start3A_63, %dma_start3A_64] : memref<512x2x16xf32, #tpu.memory_space<vmem>> -> memref<128x2x16xf32, #tpu.memory_space<vmem>>
    %dma_start3A_66 = arith.constant 384 : i32
    %dma_start3A_67 = tpu.memref_slice %arg8[%dma_start3A_66] : memref<512xi32, #tpu.memory_space<vmem>> -> memref<128xi32, #tpu.memory_space<vmem>>
    %dma_start3A_68 = arith.constant 0 : i32
    %dma_start3A_69 = arith.constant 0 : i32
    %dma_start3A_70 = arith.constant 0 : i32
    %dma_start3A_71 = tpu.memref_slice %arg4[%dma_start3A_68, %dma_start3A_69, %dma_start3A_70] : memref<20000x2x16xf32, #tpu.memory_space<hbm>> -> memref<20000x2x16xf32, #tpu.memory_space<hbm>>
    tpu.enqueue_indirect_dma source(%dma_start3A_71 : memref<20000x2x16xf32, #tpu.memory_space<hbm>>) target(%dma_start3A_65 : memref<128x2x16xf32, #tpu.memory_space<vmem>>) offsets(%dma_start3A_67 : memref<128xi32, #tpu.memory_space<vmem>>) semaphore(%arg12 : memref<!tpu.dma_semaphore, #tpu.memory_space<semaphore_mem>>)
    %dma_start3A_72 = arith.constant 384 : i32
    %dma_start3A_73 = arith.constant 0 : i32
    %dma_start3A_74 = arith.constant 0 : i32
    %dma_start3A_75 = tpu.memref_slice %arg11[%dma_start3A_72, %dma_start3A_73, %dma_start3A_74] : memref<512x2x16xf32, #tpu.memory_space<vmem>> -> memref<128x2x16xf32, #tpu.memory_space<vmem>>
    %dma_start3A_76 = arith.constant 384 : i32
    %dma_start3A_77 = tpu.memref_slice %arg9[%dma_start3A_76] : memref<512xi32, #tpu.memory_space<vmem>> -> memref<128xi32, #tpu.memory_space<vmem>>
    %dma_start3A_78 = arith.constant 0 : i32
    %dma_start3A_79 = arith.constant 0 : i32
    %dma_start3A_80 = arith.constant 0 : i32
    %dma_start3A_81 = tpu.memref_slice %arg5[%dma_start3A_78, %dma_start3A_79, %dma_start3A_80] : memref<1000000x2x16xf32, #tpu.memory_space<hbm>> -> memref<1000000x2x16xf32, #tpu.memory_space<hbm>>
    tpu.enqueue_indirect_dma source(%dma_start3A_81 : memref<1000000x2x16xf32, #tpu.memory_space<hbm>>) target(%dma_start3A_75 : memref<128x2x16xf32, #tpu.memory_space<vmem>>) offsets(%dma_start3A_77 : memref<128xi32, #tpu.memory_space<vmem>>) semaphore(%arg12 : memref<!tpu.dma_semaphore, #tpu.memory_space<semaphore_mem>>)
    %dma_wait3A = arith.constant 0 : i32
    %dma_wait3A_82 = arith.constant 0 : i32
    %dma_wait3A_83 = arith.constant 0 : i32
    %dma_wait3A_84 = tpu.memref_slice %arg10[%dma_wait3A, %dma_wait3A_82, %dma_wait3A_83] : memref<512x2x16xf32, #tpu.memory_space<vmem>> -> memref<128x2x16xf32, #tpu.memory_space<vmem>>
    %dma_wait3A_85 = arith.constant 0 : i32
    %dma_wait3A_86 = tpu.memref_slice %arg8[%dma_wait3A_85] : memref<512xi32, #tpu.memory_space<vmem>> -> memref<128xi32, #tpu.memory_space<vmem>>
    %dma_wait3A_87 = arith.constant 0 : i32
    %dma_wait3A_88 = arith.constant 0 : i32
    %dma_wait3A_89 = arith.constant 0 : i32
    %dma_wait3A_90 = tpu.memref_slice %arg4[%dma_wait3A_87, %dma_wait3A_88, %dma_wait3A_89] : memref<20000x2x16xf32, #tpu.memory_space<hbm>> -> memref<20000x2x16xf32, #tpu.memory_space<hbm>>
    tpu.wait_indirect_dma semaphore(%arg12 : memref<!tpu.dma_semaphore, #tpu.memory_space<semaphore_mem>>) src(%dma_wait3A_90 : memref<20000x2x16xf32, #tpu.memory_space<hbm>>) dst(%dma_wait3A_84 : memref<128x2x16xf32, #tpu.memory_space<vmem>>)
    %dma_wait3A_91 = arith.constant 0 : i32
    %dma_wait3A_92 = arith.constant 0 : i32
    %dma_wait3A_93 = arith.constant 0 : i32
    %dma_wait3A_94 = tpu.memref_slice %arg11[%dma_wait3A_91, %dma_wait3A_92, %dma_wait3A_93] : memref<512x2x16xf32, #tpu.memory_space<vmem>> -> memref<128x2x16xf32, #tpu.memory_space<vmem>>
    %dma_wait3A_95 = arith.constant 0 : i32
    %dma_wait3A_96 = tpu.memref_slice %arg9[%dma_wait3A_95] : memref<512xi32, #tpu.memory_space<vmem>> -> memref<128xi32, #tpu.memory_space<vmem>>
    %dma_wait3A_97 = arith.constant 0 : i32
    %dma_wait3A_98 = arith.constant 0 : i32
    %dma_wait3A_99 = arith.constant 0 : i32
    %dma_wait3A_100 = tpu.memref_slice %arg5[%dma_wait3A_97, %dma_wait3A_98, %dma_wait3A_99] : memref<1000000x2x16xf32, #tpu.memory_space<hbm>> -> memref<1000000x2x16xf32, #tpu.memory_space<hbm>>
    tpu.wait_indirect_dma semaphore(%arg12 : memref<!tpu.dma_semaphore, #tpu.memory_space<semaphore_mem>>) src(%dma_wait3A_100 : memref<1000000x2x16xf32, #tpu.memory_space<hbm>>) dst(%dma_wait3A_94 : memref<128x2x16xf32, #tpu.memory_space<vmem>>)
    %dma_wait3A_101 = arith.constant 128 : i32
    %dma_wait3A_102 = arith.constant 0 : i32
    %dma_wait3A_103 = arith.constant 0 : i32
    %dma_wait3A_104 = tpu.memref_slice %arg10[%dma_wait3A_101, %dma_wait3A_102, %dma_wait3A_103] : memref<512x2x16xf32, #tpu.memory_space<vmem>> -> memref<128x2x16xf32, #tpu.memory_space<vmem>>
    %dma_wait3A_105 = arith.constant 128 : i32
    %dma_wait3A_106 = tpu.memref_slice %arg8[%dma_wait3A_105] : memref<512xi32, #tpu.memory_space<vmem>> -> memref<128xi32, #tpu.memory_space<vmem>>
    %dma_wait3A_107 = arith.constant 0 : i32
    %dma_wait3A_108 = arith.constant 0 : i32
    %dma_wait3A_109 = arith.constant 0 : i32
    %dma_wait3A_110 = tpu.memref_slice %arg4[%dma_wait3A_107, %dma_wait3A_108, %dma_wait3A_109] : memref<20000x2x16xf32, #tpu.memory_space<hbm>> -> memref<20000x2x16xf32, #tpu.memory_space<hbm>>
    tpu.wait_indirect_dma semaphore(%arg12 : memref<!tpu.dma_semaphore, #tpu.memory_space<semaphore_mem>>) src(%dma_wait3A_110 : memref<20000x2x16xf32, #tpu.memory_space<hbm>>) dst(%dma_wait3A_104 : memref<128x2x16xf32, #tpu.memory_space<vmem>>)
    %dma_wait3A_111 = arith.constant 128 : i32
    %dma_wait3A_112 = arith.constant 0 : i32
    %dma_wait3A_113 = arith.constant 0 : i32
    %dma_wait3A_114 = tpu.memref_slice %arg11[%dma_wait3A_111, %dma_wait3A_112, %dma_wait3A_113] : memref<512x2x16xf32, #tpu.memory_space<vmem>> -> memref<128x2x16xf32, #tpu.memory_space<vmem>>
    %dma_wait3A_115 = arith.constant 128 : i32
    %dma_wait3A_116 = tpu.memref_slice %arg9[%dma_wait3A_115] : memref<512xi32, #tpu.memory_space<vmem>> -> memref<128xi32, #tpu.memory_space<vmem>>
    %dma_wait3A_117 = arith.constant 0 : i32
    %dma_wait3A_118 = arith.constant 0 : i32
    %dma_wait3A_119 = arith.constant 0 : i32
    %dma_wait3A_120 = tpu.memref_slice %arg5[%dma_wait3A_117, %dma_wait3A_118, %dma_wait3A_119] : memref<1000000x2x16xf32, #tpu.memory_space<hbm>> -> memref<1000000x2x16xf32, #tpu.memory_space<hbm>>
    tpu.wait_indirect_dma semaphore(%arg12 : memref<!tpu.dma_semaphore, #tpu.memory_space<semaphore_mem>>) src(%dma_wait3A_120 : memref<1000000x2x16xf32, #tpu.memory_space<hbm>>) dst(%dma_wait3A_114 : memref<128x2x16xf32, #tpu.memory_space<vmem>>)
    %dma_wait3A_121 = arith.constant 256 : i32
    %dma_wait3A_122 = arith.constant 0 : i32
    %dma_wait3A_123 = arith.constant 0 : i32
    %dma_wait3A_124 = tpu.memref_slice %arg10[%dma_wait3A_121, %dma_wait3A_122, %dma_wait3A_123] : memref<512x2x16xf32, #tpu.memory_space<vmem>> -> memref<128x2x16xf32, #tpu.memory_space<vmem>>
    %dma_wait3A_125 = arith.constant 256 : i32
    %dma_wait3A_126 = tpu.memref_slice %arg8[%dma_wait3A_125] : memref<512xi32, #tpu.memory_space<vmem>> -> memref<128xi32, #tpu.memory_space<vmem>>
    %dma_wait3A_127 = arith.constant 0 : i32
    %dma_wait3A_128 = arith.constant 0 : i32
    %dma_wait3A_129 = arith.constant 0 : i32
    %dma_wait3A_130 = tpu.memref_slice %arg4[%dma_wait3A_127, %dma_wait3A_128, %dma_wait3A_129] : memref<20000x2x16xf32, #tpu.memory_space<hbm>> -> memref<20000x2x16xf32, #tpu.memory_space<hbm>>
    tpu.wait_indirect_dma semaphore(%arg12 : memref<!tpu.dma_semaphore, #tpu.memory_space<semaphore_mem>>) src(%dma_wait3A_130 : memref<20000x2x16xf32, #tpu.memory_space<hbm>>) dst(%dma_wait3A_124 : memref<128x2x16xf32, #tpu.memory_space<vmem>>)
    %dma_wait3A_131 = arith.constant 256 : i32
    %dma_wait3A_132 = arith.constant 0 : i32
    %dma_wait3A_133 = arith.constant 0 : i32
    %dma_wait3A_134 = tpu.memref_slice %arg11[%dma_wait3A_131, %dma_wait3A_132, %dma_wait3A_133] : memref<512x2x16xf32, #tpu.memory_space<vmem>> -> memref<128x2x16xf32, #tpu.memory_space<vmem>>
    %dma_wait3A_135 = arith.constant 256 : i32
    %dma_wait3A_136 = tpu.memref_slice %arg9[%dma_wait3A_135] : memref<512xi32, #tpu.memory_space<vmem>> -> memref<128xi32, #tpu.memory_space<vmem>>
    %dma_wait3A_137 = arith.constant 0 : i32
    %dma_wait3A_138 = arith.constant 0 : i32
    %dma_wait3A_139 = arith.constant 0 : i32
    %dma_wait3A_140 = tpu.memref_slice %arg5[%dma_wait3A_137, %dma_wait3A_138, %dma_wait3A_139] : memref<1000000x2x16xf32, #tpu.memory_space<hbm>> -> memref<1000000x2x16xf32, #tpu.memory_space<hbm>>
    tpu.wait_indirect_dma semaphore(%arg12 : memref<!tpu.dma_semaphore, #tpu.memory_space<semaphore_mem>>) src(%dma_wait3A_140 : memref<1000000x2x16xf32, #tpu.memory_space<hbm>>) dst(%dma_wait3A_134 : memref<128x2x16xf32, #tpu.memory_space<vmem>>)
    %dma_wait3A_141 = arith.constant 384 : i32
    %dma_wait3A_142 = arith.constant 0 : i32
    %dma_wait3A_143 = arith.constant 0 : i32
    %dma_wait3A_144 = tpu.memref_slice %arg10[%dma_wait3A_141, %dma_wait3A_142, %dma_wait3A_143] : memref<512x2x16xf32, #tpu.memory_space<vmem>> -> memref<128x2x16xf32, #tpu.memory_space<vmem>>
    %dma_wait3A_145 = arith.constant 384 : i32
    %dma_wait3A_146 = tpu.memref_slice %arg8[%dma_wait3A_145] : memref<512xi32, #tpu.memory_space<vmem>> -> memref<128xi32, #tpu.memory_space<vmem>>
    %dma_wait3A_147 = arith.constant 0 : i32
    %dma_wait3A_148 = arith.constant 0 : i32
    %dma_wait3A_149 = arith.constant 0 : i32
    %dma_wait3A_150 = tpu.memref_slice %arg4[%dma_wait3A_147, %dma_wait3A_148, %dma_wait3A_149] : memref<20000x2x16xf32, #tpu.memory_space<hbm>> -> memref<20000x2x16xf32, #tpu.memory_space<hbm>>
    tpu.wait_indirect_dma semaphore(%arg12 : memref<!tpu.dma_semaphore, #tpu.memory_space<semaphore_mem>>) src(%dma_wait3A_150 : memref<20000x2x16xf32, #tpu.memory_space<hbm>>) dst(%dma_wait3A_144 : memref<128x2x16xf32, #tpu.memory_space<vmem>>)
    %dma_wait3A_151 = arith.constant 384 : i32
    %dma_wait3A_152 = arith.constant 0 : i32
    %dma_wait3A_153 = arith.constant 0 : i32
    %dma_wait3A_154 = tpu.memref_slice %arg11[%dma_wait3A_151, %dma_wait3A_152, %dma_wait3A_153] : memref<512x2x16xf32, #tpu.memory_space<vmem>> -> memref<128x2x16xf32, #tpu.memory_space<vmem>>
    %dma_wait3A_155 = arith.constant 384 : i32
    %dma_wait3A_156 = tpu.memref_slice %arg9[%dma_wait3A_155] : memref<512xi32, #tpu.memory_space<vmem>> -> memref<128xi32, #tpu.memory_space<vmem>>
    %dma_wait3A_157 = arith.constant 0 : i32
    %dma_wait3A_158 = arith.constant 0 : i32
    %dma_wait3A_159 = arith.constant 0 : i32
    %dma_wait3A_160 = tpu.memref_slice %arg5[%dma_wait3A_157, %dma_wait3A_158, %dma_wait3A_159] : memref<1000000x2x16xf32, #tpu.memory_space<hbm>> -> memref<1000000x2x16xf32, #tpu.memory_space<hbm>>
    tpu.wait_indirect_dma semaphore(%arg12 : memref<!tpu.dma_semaphore, #tpu.memory_space<semaphore_mem>>) src(%dma_wait3A_160 : memref<1000000x2x16xf32, #tpu.memory_space<hbm>>) dst(%dma_wait3A_154 : memref<128x2x16xf32, #tpu.memory_space<vmem>>)
    "tpu.region"() ({
      %run_scoped3A = tpu.sem_alloc : memref<!tpu.dma_semaphore, #tpu.memory_space<semaphore_mem>>
      %dma_start3A_161 = arith.constant 0 : i32
      %dma_start3A_162 = arith.constant 0 : i32
      %dma_start3A_163 = tpu.memref_slice %arg6[%mul3A_2, %dma_start3A_161, %dma_start3A_162] : memref<16384x2x16xf32, #tpu.memory_space<hbm>> -> memref<512x2x16xf32, #tpu.memory_space<hbm>>
      %dma_start3A_164 = arith.constant 0 : i32
      %dma_start3A_165 = arith.constant 0 : i32
      %dma_start3A_166 = tpu.memref_slice %arg6[%mul3A_2, %dma_start3A_164, %dma_start3A_165] : memref<16384x2x16xf32, #tpu.memory_space<hbm>> -> memref<512x2x16xf32, #tpu.memory_space<hbm>>
      tpu.enqueue_dma source(%arg10 : memref<512x2x16xf32, #tpu.memory_space<vmem>>) target(%dma_start3A_166 : memref<512x2x16xf32, #tpu.memory_space<hbm>>) target_semaphore(%run_scoped3A : memref<!tpu.dma_semaphore, #tpu.memory_space<semaphore_mem>>)
      %dma_wait3A_167 = arith.constant 0 : i32
      %dma_wait3A_168 = arith.constant 0 : i32
      %dma_wait3A_169 = tpu.memref_slice %arg6[%mul3A_2, %dma_wait3A_167, %dma_wait3A_168] : memref<16384x2x16xf32, #tpu.memory_space<hbm>> -> memref<512x2x16xf32, #tpu.memory_space<hbm>>
      %dma_wait3A_170 = arith.constant 0 : i32
      %dma_wait3A_171 = arith.constant 0 : i32
      %dma_wait3A_172 = tpu.memref_slice %arg6[%mul3A_2, %dma_wait3A_170, %dma_wait3A_171] : memref<16384x2x16xf32, #tpu.memory_space<hbm>> -> memref<512x2x16xf32, #tpu.memory_space<hbm>>
      tpu.wait_dma2 semaphore(%run_scoped3A : memref<!tpu.dma_semaphore, #tpu.memory_space<semaphore_mem>>) src(%arg10 : memref<512x2x16xf32, #tpu.memory_space<vmem>>) dst(%dma_wait3A_172 : memref<512x2x16xf32, #tpu.memory_space<hbm>>)
      tpu.yield
    }) : () -> ()
    "tpu.region"() ({
      %run_scoped3A = tpu.sem_alloc : memref<!tpu.dma_semaphore, #tpu.memory_space<semaphore_mem>>
      %dma_start3A_161 = arith.constant 0 : i32
      %dma_start3A_162 = arith.constant 0 : i32
      %dma_start3A_163 = tpu.memref_slice %arg7[%mul3A_2, %dma_start3A_161, %dma_start3A_162] : memref<16384x2x16xf32, #tpu.memory_space<hbm>> -> memref<512x2x16xf32, #tpu.memory_space<hbm>>
      %dma_start3A_164 = arith.constant 0 : i32
      %dma_start3A_165 = arith.constant 0 : i32
      %dma_start3A_166 = tpu.memref_slice %arg7[%mul3A_2, %dma_start3A_164, %dma_start3A_165] : memref<16384x2x16xf32, #tpu.memory_space<hbm>> -> memref<512x2x16xf32, #tpu.memory_space<hbm>>
      tpu.enqueue_dma source(%arg11 : memref<512x2x16xf32, #tpu.memory_space<vmem>>) target(%dma_start3A_166 : memref<512x2x16xf32, #tpu.memory_space<hbm>>) target_semaphore(%run_scoped3A : memref<!tpu.dma_semaphore, #tpu.memory_space<semaphore_mem>>)
      %dma_wait3A_167 = arith.constant 0 : i32
      %dma_wait3A_168 = arith.constant 0 : i32
      %dma_wait3A_169 = tpu.memref_slice %arg7[%mul3A_2, %dma_wait3A_167, %dma_wait3A_168] : memref<16384x2x16xf32, #tpu.memory_space<hbm>> -> memref<512x2x16xf32, #tpu.memory_space<hbm>>
      %dma_wait3A_170 = arith.constant 0 : i32
      %dma_wait3A_171 = arith.constant 0 : i32
      %dma_wait3A_172 = tpu.memref_slice %arg7[%mul3A_2, %dma_wait3A_170, %dma_wait3A_171] : memref<16384x2x16xf32, #tpu.memory_space<hbm>> -> memref<512x2x16xf32, #tpu.memory_space<hbm>>
      tpu.wait_dma2 semaphore(%run_scoped3A : memref<!tpu.dma_semaphore, #tpu.memory_space<semaphore_mem>>) src(%arg11 : memref<512x2x16xf32, #tpu.memory_space<vmem>>) dst(%dma_wait3A_172 : memref<512x2x16xf32, #tpu.memory_space<hbm>>)
      tpu.yield
    }) : () -> ()
    return
  }
}

</mosaic_0001>

<sc_bundles>
// kernel: _run.3.cloned.1.call-start
scs
__scs_entry_jumppad:
0x0: {  	(pc) =	sbr.rel $0x88, $3  }
0x1: {  	(tag) =	ssettag $0x0;
	lr =	simm.s32 $0x1  }
0x2: {  	[smem:$0x3F9D] =	sst lr;
	_ =	strace $0xD0000000  }
0x3: {  	_ = 	snop  }
0x4: {  	_ = 	snop  }
0x5: {  	_ = 	snop  }
0x6: {  	_ = 	snop  }
0x7: {  	_ = 	snop  }
__scs_overlays_trampoline_lowered:
0x8: {  	[smem:$0x3FAC] =	sst s0  }
0x9: {  	[smem:$0x3FAD] =	sst s1  }
0xa: {  	[smem:$0x3FAE] =	sst s2  }
0xb: {  	[smem:$0x3FAF] =	sst s3  }
0xc: {  	[smem:$0x3FB0] =	sst s4  }
0xd: {  	[smem:$0x3FB1] =	sst s5  }
0xe: {  	[smem:$0x3FB2] =	sst s6  }
0xf: {  	[smem:$0x3FB3] =	sst s7  }
0x10: {  	[smem:$0x3FB4] =	sst s8  }
0x11: {  	[smem:$0x3FB5] =	sst s9;
	s0 =	simm.s32 @!p0 $0x0  }
0x12: {  	s1 =	sld [smem:$0x3F9B];
	s0 =	simm.s32 @p0 $0x1  }
0x13: {  	[smem:$0x3FB6] =	sst s0;
	s0 =	simm.s32 @!p1 $0x0  }
0x14: {  	s2 =	sld [smem:$0x3F9A];
	s0 =	simm.s32 @p1 $0x1  }
0x15: {  	[smem:$0x3FB7] =	sst s0;
	s0 =	simm.s32 @!p2 $0x0  }
0x16: {  	s3 =	sld [smem:$0x3FDB];
	s0 =	simm.s32 @p2 $0x1  }
0x17: {  	s4 =	simm.s32 $0x1BF5;
	[smem:$0x3FB9] =	sst s0  }
0x18: {  	s0 =	sld [smem:$0x3F9C];
	_ =	swait.ge [sflag:s4], $0x0  }
0x19: {  	s7 =	sld [smem:$0x3F9D]  }
0x1a: {  	s8 =	sadd.s32 $0xFFFFE003, lr  }
0x1b: {  	s9 =	sadd.s32 $0xFFFFFEF7, lr;
	s5 =	simm.s32 $0xFFFFFFFF;
	p2 =	slt.u32 s8, $0xFFFFF086  }
0x1c: {  	p1 =	slt.u32 s9, $0xF7A;
	s5 =	simm.s32 @!p2 $0x0  }
0x1d: {  	s5 =	simm.s32 @p1 $0x1;
	p0 =	seq.s32 s7, s2  }
0x1e: {  	s7 =	smul.u32 @!p0 $0xF7A, s2;
	p2 =	seq.s32 @!p0 s5, $0x0  }
0x1f: {  	s9 =	smul.u32 $0xF7A, s1;
	s8 =	simm.s32 @!p0 $0x1BF5;
	p2 =	por !p2, p0  }
0x20: {  	[sflag:s8] =	ssyncset.s32 @!p0 $0xFFFFF086;
	s6 =	sadd.s32 @!p0 s3, s7;
	s7 =	simm.s32 @!p0 $0x108  }
0x21: {  	s3 =	sadd.s32 s3, s9;
	s6 =	sadd.s32 @!p0 $0x88, s6;
	s7 =	simm.s32 @p2 $0x1082  }
0x22: {  	[simem:s7], [sflag:s8] =	dma.local @!p0 [hbm:s6], $0xF7A  }
0x23: {  	s9 =	sor.u32 $0xD0000000, s2;
	s6 =	simm.s32 $0x108;
	_ =	swait.ge @!p0 [sflag:s8], $0x0  }
0x24: {  	s3 =	sadd.s32 $0x88, s3;
	s6 =	simm.s32 @!p1 $0x1082;
	[sflag:s4] =	ssyncset.s32 $0xFFFFF086  }
0x25: {  	[simem:s6], [sflag:s4] =	dma.local [hbm:s3], $0xF7A  }
0x26: {  	[smem:$0x3F9D] =	sst s1;
	(tag) =	ssettag s2;
	_ =	strace s9  }
0x27: {  	s1 =	sld [smem:$0x3FAD]  }
0x28: {  	s2 =	sld [smem:$0x3FAE]  }
0x29: {  	s4 =	sld [smem:$0x3FB0]  }
0x2a: {  	p0 =	seq.s32 s5, $0x0;
	s5 =	sld [smem:$0x3FB1]  }
0x2b: {  	s6 =	sld [smem:$0x3FB2]  }
0x2c: {  	s7 =	sld [smem:$0x3FB3]  }
0x2d: {  	s3 =	simm.s32 $0x108;
	s8 =	sld [smem:$0x3FB4]  }
0x2e: {  	s3 =	simm.s32 @!p0 $0x1082;
	s9 =	sld [smem:$0x3FB5]  }
0x2f: {  	lr =	sadd.s32 s0, s3;
	s0 =	sld [smem:$0x3FAC]  }
0x30: {  	s3 =	sld [smem:$0x3FAF]  }
0x31: {  	[smem:$0x3FB8] =	sst s10  }
0x32: {  	s10 =	sld [smem:$0x3FB6];
	_ =	sdelay $0x3  }
0x33: {  	p0 =	seq.s32 s10, $0x1;
	s10 =	sld [smem:$0x3FB8];
	_ =	sdelay $0x3  }
0x34: {  	[smem:$0x3FB8] =	sst s10  }
0x35: {  	s10 =	sld [smem:$0x3FB7];
	_ =	sdelay $0x3  }
0x36: {  	p1 =	seq.s32 s10, $0x1;
	s10 =	sld [smem:$0x3FB8];
	_ =	sdelay $0x3  }
0x37: {  	[smem:$0x3FB8] =	sst s10  }
0x38: {  	s10 =	sld [smem:$0x3FB9]  }
0x39: {  	_ = 	snop;
	(pc) =	sbr.ind lr, $3  }
0x3a: {  	_ = 	snop  }
0x3b: {  	_ = 	snop  }
0x3c: {  	p2 =	seq.s32 s10, $0x1;
	s10 =	sld [smem:$0x3FB8]  }
0x3d: {  	_ =	shalt  }
0x3e: {  	_ =	shalt  }
0x3f: {  	_ =	shalt  }
0x40: {  	_ =	shalt  }
0x41: {  	_ =	shalt  }
0x42: {  	_ =	shalt  }
0x43: {  	_ =	shalt  }
0x44: {  	_ =	shalt  }
0x45: {  	_ =	shalt  }
0x46: {  	_ =	shalt  }
0x47: {  	_ =	shalt  }
0x48: {  	_ =	shalt  }
0x49: {  	_ =	shalt  }
0x4a: {  	_ =	shalt  }
0x4b: {  	_ =	shalt  }
0x4c: {  	_ =	shalt  }
0x4d: {  	_ =	shalt  }
0x4e: {  	_ =	shalt  }
0x4f: {  	_ =	shalt  }
0x50: {  	_ =	shalt  }
0x51: {  	_ =	shalt  }
0x52: {  	_ =	shalt  }
0x53: {  	_ =	shalt  }
0x54: {  	_ =	shalt  }
0x55: {  	_ =	shalt  }
0x56: {  	_ =	shalt  }
0x57: {  	_ =	shalt  }
0x58: {  	_ =	shalt  }
0x59: {  	_ =	shalt  }
0x5a: {  	_ =	shalt  }
0x5b: {  	_ =	shalt  }
0x5c: {  	_ =	shalt  }
0x5d: {  	_ =	shalt  }
0x5e: {  	_ =	shalt  }
0x5f: {  	_ =	shalt  }
0x60: {  	_ =	shalt  }
0x61: {  	_ =	shalt  }
0x62: {  	_ =	shalt  }
0x63: {  	_ =	shalt  }
0x64: {  	_ =	shalt  }
0x65: {  	_ =	shalt  }
0x66: {  	_ =	shalt  }
0x67: {  	_ =	shalt  }
0x68: {  	_ =	shalt  }
0x69: {  	_ =	shalt  }
0x6a: {  	_ =	shalt  }
0x6b: {  	_ =	shalt  }
0x6c: {  	_ =	shalt  }
0x6d: {  	_ =	shalt  }
0x6e: {  	_ =	shalt  }
0x6f: {  	_ =	shalt  }
0x70: {  	_ =	shalt  }
0x71: {  	_ =	shalt  }
0x72: {  	_ =	shalt  }
0x73: {  	_ =	shalt  }
0x74: {  	_ =	shalt  }
0x75: {  	_ =	shalt  }
0x76: {  	_ =	shalt  }
0x77: {  	_ =	shalt  }
0x78: {  	_ =	shalt  }
0x79: {  	_ =	shalt  }
0x7a: {  	_ =	shalt  }
0x7b: {  	_ =	shalt  }
0x7c: {  	_ =	shalt  }
0x7d: {  	_ =	shalt  }
0x7e: {  	_ =	shalt  }
0x7f: {  	_ =	shalt  }
0x80: {  	_ =	shalt  }
0x81: {  	_ =	shalt  }
0x82: {  	_ =	shalt  }
0x83: {  	_ =	shalt  }
0x84: {  	_ =	shalt  }
0x85: {  	_ =	shalt  }
0x86: {  	_ =	shalt  }
0x87: {  	_ =	shalt  }
.Lfunc_end0:
.L_simem_size_0:
called_computation.1_lowered:
.L_overlay_start_0:
0x88: {  	s2 =	sld [smem:$0x3FD9]  }
0x89: {  	s3 =	sld [smem:$0x3FFE];
	_ =	sdelay $0x1  }
0x8a: {  	s1 =	srdreg.scid  }
0x8b: {  	s0 =	sand.u32 $0x1, s1  }
0x8c: {  	s17 =	sshll.u32 s0, $0xA;
	s2 =	sadd.s32 s3, s2  }
0x8d: {  	s2 =	sadd.s32 s2, s17  }
0x8e: {  	[smem:$0x3FC4] =	sst s2  }
0x8f: {  	_ = 	snop  }
0x90: {  	s2 =	sld [smem:$0x3FC9]  }
0x91: {  	s18 =	sld [smem:$0x3FC8]  }
0x92: {  	s4 =	sld [smem:$0x3FD0];
	(tm) =	ssettm $0x1  }
0x93: {  	s5 =	sld [smem:$0x3FFB];
	_ =	sdelay $0x3  }
0x94: {  	_ =	strace s5  }
0x95: {  	s5 =	sld [smem:$0x3FFC];
	_ =	sdelay $0x3  }
0x96: {  	_ =	strace s5  }
0x97: {  	s5 =	sld [smem:$0x3FFD];
	_ =	sdelay $0x3  }
0x98: {  	_ =	strace s5  }
0x99: {  	_ =	strace $0x8FFFFFFF  }
0x9a: {  	s19 =	sld [smem:$0x3FDB];
	_ =	sdelay $0x1  }
0x9b: {  	s6 =	simm.s32 $_scs_section_size  }
0x9c: {  	s7 =	simm.s32 $_size__tile_overlayer_lowered;
	s8 =	simm.s32 $_tile_overlayer_lowered  }
0x9d: {  	s22 =	simm.s32 $0x1BFF;
	s21 =	sshll.u32 s8, $0x1;
	s5 =	sadd.s32 s6, s19  }
0x9e: {  	s9 =	simm.s32 $0x0;
	s20 =	sshll.u32 s7, $0x1;
	s7 =	sadd.s32 s21, s5  }
0x9f: {  	[timem:s9], [sflag:s22] =	dma.local [hbm:s7], s20  }
0xa0: {  	_ =	swait.ge [sflag:s22], s20  }
0xa1: {  	s6 =	ssub.s32 $0x0, s20;
	[sflag:s22] =	ssyncset.done $0x0  }
0xa2: {  	[sflag:s22] =	ssyncadd.s32 s6;
	_ =	sdelay $0x1  }
0xa3: {  	s23 =	simm.s32 $0x1B8B  }
0xa4: {  	_ =	swait.ge [sflag:s23], $0x1  }
0xa5: {  	[sflag:s23] =	ssyncset.done $0x0  }
0xa6: {  	s25 =	simm.s32 $0x1B8E;
	s24 =	sld [smem:$0x3FFE];
	[sflag:s23] =	ssyncadd.s32 $0xFFFFFFFF  }
0xa7: {  	s26 =	simm.s32 $execute0_lowered;
	[smem:$0x3FD2] =	sst s25  }
0xa8: {  	s7 =	sshll.u32 s26, $0x1;
	_ =	strace $0x80000049;
	[dreg:$0x1] =	wrdreg $0xFFFFFFFF  }
0xa9: {  	s28 =	simm.s32 $_size_execute0_lowered;
	s5 =	sadd.s32 s5, s7;
	[dreg:$0x0] =	wrdreg $0x0  }
0xaa: {  	s7 =	sshll.u32 s28, $0x1;
	[dreg:$0x2] =	wrdreg s5  }
0xab: {  	[dreg:$0x3] =	wrdreg s7  }
0xac: {  	[dreg:$0x4] =	wrdreg $0xC0  }
0xad: {  	_ =	task [dreg:s9], $0x5FFFF  }
0xae: {  	[dreg:$0x1] =	wrdreg $0xFFFFFFFF  }
0xaf: {  	[dreg:$0x0] =	wrdreg $0x60  }
0xb0: {  	[dreg:$0x2] =	wrdreg s2  }
0xb1: {  	[dreg:$0x3] =	wrdreg s18  }
0xb2: {  	[dreg:$0x4] =	wrdreg s4  }
0xb3: {  	[dreg:$0x5] =	wrdreg s24  }
0xb4: {  	[dreg:$0x6] =	wrdreg $0x9  }
0xb5: {  	_ =	task.clear_ibuf [dreg:s9], $0x7FFFF;
	_ =	strace $0x90000049  }
0xb6: {  	s29 =	simm.s32 $0x9;
	_ =	strace $0x8000004B  }
0xb7: {  	_ =	swait.ge [sflag:s29], $0x1  }
0xb8: {  	[sflag:s29] =	ssyncadd.s32 $0xFFFFFFFF  }
0xb9: {  	_ =	strace $0x9000004B  }
0xba: {  	_ =	sfence  }
0xbb: {  	s30 =	sld [smem:$0x0];
	_ =	sdelay $0x2  }
0xbc: {  	s31 =	sshll.u32 s1, $0xD;
	s1 =	sshrl.u32 s1, $0x2  }
0xbd: {  	s3 =	sand.u32 $0x4000, s31;
	s1 =	sadd.s32 s1, s30  }
0xbe: {  	s0 =	sor.u32 s3, s0;
	s1 =	sshll.u32 s1, $0x11  }
0xbf: {  	s0 =	sor.u32 s1, s0  }
0xc0: {  	s0 =	sadd.s32 $0x8F2B, s0  }
0xc1: {  	[sflag:s0] =	ssyncadd.remote.s32 $0x1  }
0xc2: {  	_ =	sfence.sel $0xFFFF  }
0xc3: {  	[dreg:$0x0] =	wrdreg $0xFFFFFFFF;
	(pc) =	sbr.abs _section_cstart, $3  }
0xc4: {  	[dreg:$0x1] =	wrdreg $0xFFFFFFFF  }
0xc5: {  	_ =	task.clear_ibuf [dreg:s9], $0x2FFFF;
	_ =	strace $0x9FFFFFFF  }
0xc6: {  	(tm) =	ssettm $0x7FFFFFFF  }
0xc7: {  	_ =	shalt  }
tec
execute0_lowered:
.L_overlay_start_1:
0x0: {  	(tag) =	ssettag $0x1  }
0x1: {  	s4 =	rddreg [dreg:$0x0]  }
0x2: {  	s6 =	rddreg [dreg:$0x1];
	s1 =	srdreg.scid  }
0x3: {  	s2 =	rddreg [dreg:$0x2];
	s0 =	stileid.u32;
	s24 =	sand.u32 $0x1, s1  }
0x4: {  	s25 =	rddreg [dreg:$0x3];
	s5 =	sshll.u32 s0, $0xA;
	s7 =	sshll.u32 s24, $0x9  }
0x5: {  	s3 =	simm.s32 $0x0;
	s1 =	rddreg [dreg:$0x4];
	s26 =	sor.u32 s7, s5  }
0x6: {  	[smem:$0x7FF] =	sst s3;
	s7 =	sshrl.u32 s26, $0x3  }
0x7: {  	_ =	strace $0x8000004A;
	s5 =	sadd.s32 s4, s7;
	s4 =	simm.s32 $0x2  }
0x8: {  	[tilespmem:s3], [sflag:$0x2] =	stream.linear.gather [hbm4b:s5+s3], $0x200, $0x38;
	[tilespmem:$0x8400] =	vst v63  }
0x9: {  	_ =	swait.ge [sflag:s4], $0x200  }
0xa: {  	[sflag:s4] =	ssyncset.done $0x0  }
0xb: {  	s6 =	sadd.s32 s6, s7;
	s7 =	simm.s32 $0x200;
	[sflag:s4] =	ssyncadd.s32 $0xFFFFFE00  }
0xc: {  	[tilespmem:s7], [sflag:$0x2] =	stream.linear.gather [hbm4b:s6+s3], $0x200, $0x38;
	[tilespmem:$0x8400] =	vst v63  }
0xd: {  	_ =	swait.ge [sflag:s4], $0x200  }
0xe: {  	[sflag:s4] =	ssyncset.done $0x0  }
0xf: {  	s8 =	simm.s32 $0x80;
	s9 =	simm.s32 $0x400;
	[sflag:s4] =	ssyncadd.s32 $0xFFFFFE00  }
0x10: {  	[tilespmem:s9], [sflag:$0x1] =	stream.indirect.gather [hbm4b:s2+s8], $0x20, s3, s8, $0xb8;
	[tilespmem:$0x8400] =	vst v63  }
0x11: {  	s11 =	simm.s32 $0x4400;
	s10 =	sadd.s32 $0x1E85800, s25  }
0x12: {  	[tilespmem:s11], [sflag:$0x1] =	stream.indirect.gather [hbm4b:s10+s8], $0x20, s7, s8, $0xb8;
	[tilespmem:$0x8400] =	vst v63  }
0x13: {  	s12 =	simm.s32 $0x1400  }
0x14: {  	[tilespmem:s12], [sflag:$0x1] =	stream.indirect.gather [hbm4b:s2+s8], $0x20, s8, s8, $0xb8;
	[tilespmem:$0x8400] =	vst v63  }
0x15: {  	s13 =	simm.s32 $0x280;
	s14 =	simm.s32 $0x5400  }
0x16: {  	[tilespmem:s14], [sflag:$0x1] =	stream.indirect.gather [hbm4b:s10+s8], $0x20, s13, s8, $0xb8;
	[tilespmem:$0x8400] =	vst v63  }
0x17: {  	s15 =	simm.s32 $0x100;
	s16 =	simm.s32 $0x2400  }
0x18: {  	[tilespmem:s16], [sflag:$0x1] =	stream.indirect.gather [hbm4b:s2+s8], $0x20, s15, s8, $0xb8;
	[tilespmem:$0x8400] =	vst v63  }
0x19: {  	s17 =	simm.s32 $0x300;
	s18 =	simm.s32 $0x6400  }
0x1a: {  	[tilespmem:s18], [sflag:$0x1] =	stream.indirect.gather [hbm4b:s10+s8], $0x20, s17, s8, $0xb8;
	[tilespmem:$0x8400] =	vst v63  }
0x1b: {  	s19 =	simm.s32 $0x180;
	s20 =	simm.s32 $0x3400  }
0x1c: {  	[tilespmem:s20], [sflag:$0x1] =	stream.indirect.gather [hbm4b:s2+s8], $0x20, s19, s8, $0xb8;
	[tilespmem:$0x8400] =	vst v63  }
0x1d: {  	s21 =	simm.s32 $0x380;
	s22 =	simm.s32 $0x7400;
	s23 =	simm.s32 $0x1  }
0x1e: {  	[tilespmem:s22], [sflag:$0x1] =	stream.indirect.gather [hbm4b:s10+s8], $0x20, s21, s8, $0xb8;
	[tilespmem:$0x8400] =	vst v63  }
0x1f: {  	_ =	swait.ge [sflag:s23], $0x1000  }
0x20: {  	[sflag:s23] =	ssyncset.done $0x0  }
0x21: {  	[sflag:s23] =	ssyncadd.s32 $0xFFFFF000  }
0x22: {  	_ =	swait.ge [sflag:s23], $0x1000  }
0x23: {  	[sflag:s23] =	ssyncset.done $0x0  }
0x24: {  	[sflag:s23] =	ssyncadd.s32 $0xFFFFF000  }
0x25: {  	_ =	swait.ge [sflag:s23], $0x1000  }
0x26: {  	[sflag:s23] =	ssyncset.done $0x0  }
0x27: {  	[sflag:s23] =	ssyncadd.s32 $0xFFFFF000  }
0x28: {  	_ =	swait.ge [sflag:s23], $0x1000  }
0x29: {  	[sflag:s23] =	ssyncset.done $0x0  }
0x2a: {  	[sflag:s23] =	ssyncadd.s32 $0xFFFFF000  }
0x2b: {  	_ =	swait.ge [sflag:s23], $0x1000  }
0x2c: {  	[sflag:s23] =	ssyncset.done $0x0  }
0x2d: {  	[sflag:s23] =	ssyncadd.s32 $0xFFFFF000  }
0x2e: {  	_ =	swait.ge [sflag:s23], $0x1000  }
0x2f: {  	[sflag:s23] =	ssyncset.done $0x0  }
0x30: {  	[sflag:s23] =	ssyncadd.s32 $0xFFFFF000  }
0x31: {  	_ =	swait.ge [sflag:s23], $0x1000  }
0x32: {  	[sflag:s23] =	ssyncset.done $0x0  }
0x33: {  	s31 =	ssub.s32 $0x2, s24;
	[sflag:s23] =	ssyncadd.s32 $0xFFFFF000  }
0x34: {  	s28 =	sshrl.u32 s31, $0x1;
	s26 =	sshll.u32 s26, $0x2;
	_ =	swait.ge [sflag:s23], $0x1000  }
0x35: {  	s25 =	sadd.s32 s26, s25;
	s26 =	ssub.s32 s31, s28;
	[sflag:s23] =	ssyncset.done $0x0  }
0x36: {  	s24 =	sadd.s32 $0x1000, s25;
	s26 =	smax.u32 s26, $0x1;
	[sflag:s23] =	ssyncadd.s32 $0xFFFFF000  }
0x37: {  	[hbm4b:s24+s3] =	stream.linear.scatter [tilespmem:s9], [sflag:$0x2], $0x4000, $0x38;
	[tilespmem:$0x8400] =	vst v63  }
0x38: {  	p0 =	sne.s32 s26, $0x1;
	_ =	swait.ge [sflag:s4], $0x4000  }
.Ltmp0:
0x39: {  	[sflag:s4] =	ssyncset.done $0x0;
	(pc) =	sbr.rel @!p0 .LBB2_2-.Ltmp0, $4  }
0x3a: {  	s25 =	sadd.s32 $0x11000, s25;
	[sflag:s4] =	ssyncadd.s32 $0xFFFFC000  }
0x3b: {  	[hbm4b:s25+s3] =	stream.linear.scatter [tilespmem:s11], [sflag:$0x2], $0x4000, $0x38;
	[tilespmem:$0x8400] =	vst v63  }
0x3c: {  	_ =	swait.ge [sflag:s4], $0x4000  }
0x3d: {  	s26 =	sadd.s32 $0xFFFFFFFF, s26;
	[sflag:s4] =	ssyncset.done $0x0  }
.LBB2_1:
0x3e: {  	p0 =	sne.s32 s26, $0x1;
	s26 =	sadd.s32 $0xFFFFFFFF, s26;
	[sflag:s4] =	ssyncadd.s32 $0xFFFFC000  }
0x3f: {  	[tilespmem:s3], [sflag:$0x2] =	stream.linear.gather [hbm4b:s5+s3], $0x200, $0x38;
	[tilespmem:$0x8400] =	vst v63  }
0x40: {  	_ =	swait.ge [sflag:s4], $0x200  }
0x41: {  	[sflag:s4] =	ssyncset.done $0x0  }
0x42: {  	[sflag:s4] =	ssyncadd.s32 $0xFFFFFE00  }
0x43: {  	[tilespmem:s7], [sflag:$0x2] =	stream.linear.gather [hbm4b:s6+s3], $0x200, $0x38;
	[tilespmem:$0x8400] =	vst v63  }
0x44: {  	_ =	swait.ge [sflag:s4], $0x200  }
0x45: {  	[sflag:s4] =	ssyncset.done $0x0  }
0x46: {  	[sflag:s4] =	ssyncadd.s32 $0xFFFFFE00  }
0x47: {  	[tilespmem:s9], [sflag:$0x1] =	stream.indirect.gather [hbm4b:s2+s8], $0x20, s3, s8, $0xb8;
	[tilespmem:$0x8400] =	vst v63  }
0x48: {  	_ = 	snop  }
0x49: {  	[tilespmem:s11], [sflag:$0x1] =	stream.indirect.gather [hbm4b:s10+s8], $0x20, s7, s8, $0xb8;
	[tilespmem:$0x8400] =	vst v63  }
0x4a: {  	_ = 	snop  }
0x4b: {  	[tilespmem:s12], [sflag:$0x1] =	stream.indirect.gather [hbm4b:s2+s8], $0x20, s8, s8, $0xb8;
	[tilespmem:$0x8400] =	vst v63  }
0x4c: {  	_ = 	snop  }
0x4d: {  	[tilespmem:s14], [sflag:$0x1] =	stream.indirect.gather [hbm4b:s10+s8], $0x20, s13, s8, $0xb8;
	[tilespmem:$0x8400] =	vst v63  }
0x4e: {  	_ = 	snop  }
0x4f: {  	[tilespmem:s16], [sflag:$0x1] =	stream.indirect.gather [hbm4b:s2+s8], $0x20, s15, s8, $0xb8;
	[tilespmem:$0x8400] =	vst v63  }
0x50: {  	_ = 	snop  }
0x51: {  	[tilespmem:s18], [sflag:$0x1] =	stream.indirect.gather [hbm4b:s10+s8], $0x20, s17, s8, $0xb8;
	[tilespmem:$0x8400] =	vst v63  }
0x52: {  	_ = 	snop  }
0x53: {  	[tilespmem:s20], [sflag:$0x1] =	stream.indirect.gather [hbm4b:s2+s8], $0x20, s19, s8, $0xb8;
	[tilespmem:$0x8400] =	vst v63  }
0x54: {  	_ = 	snop  }
0x55: {  	[tilespmem:s22], [sflag:$0x1] =	stream.indirect.gather [hbm4b:s10+s8], $0x20, s21, s8, $0xb8;
	[tilespmem:$0x8400] =	vst v63  }
0x56: {  	_ =	swait.ge [sflag:s23], $0x1000  }
0x57: {  	[sflag:s23] =	ssyncset.done $0x0  }
0x58: {  	[sflag:s23] =	ssyncadd.s32 $0xFFFFF000  }
0x59: {  	_ =	swait.ge [sflag:s23], $0x1000  }
0x5a: {  	[sflag:s23] =	ssyncset.done $0x0  }
0x5b: {  	[sflag:s23] =	ssyncadd.s32 $0xFFFFF000  }
0x5c: {  	_ =	swait.ge [sflag:s23], $0x1000  }
0x5d: {  	[sflag:s23] =	ssyncset.done $0x0  }
0x5e: {  	[sflag:s23] =	ssyncadd.s32 $0xFFFFF000  }
0x5f: {  	_ =	swait.ge [sflag:s23], $0x1000  }
0x60: {  	[sflag:s23] =	ssyncset.done $0x0  }
0x61: {  	[sflag:s23] =	ssyncadd.s32 $0xFFFFF000  }
0x62: {  	_ =	swait.ge [sflag:s23], $0x1000  }
0x63: {  	[sflag:s23] =	ssyncset.done $0x0  }
0x64: {  	[sflag:s23] =	ssyncadd.s32 $0xFFFFF000  }
0x65: {  	_ =	swait.ge [sflag:s23], $0x1000  }
0x66: {  	[sflag:s23] =	ssyncset.done $0x0  }
0x67: {  	[sflag:s23] =	ssyncadd.s32 $0xFFFFF000  }
0x68: {  	_ =	swait.ge [sflag:s23], $0x1000  }
0x69: {  	[sflag:s23] =	ssyncset.done $0x0  }
0x6a: {  	[sflag:s23] =	ssyncadd.s32 $0xFFFFF000  }
0x6b: {  	_ =	swait.ge [sflag:s23], $0x1000  }
0x6c: {  	[sflag:s23] =	ssyncset.done $0x0  }
0x6d: {  	[sflag:s23] =	ssyncadd.s32 $0xFFFFF000  }
0x6e: {  	[hbm4b:s24+s3] =	stream.linear.scatter [tilespmem:s9], [sflag:$0x2], $0x4000, $0x38;
	[tilespmem:$0x8400] =	vst v63  }
0x6f: {  	_ =	swait.ge [sflag:s4], $0x4000  }
.Ltmp1:
0x70: {  	[sflag:s4] =	ssyncset.done $0x0;
	(pc) =	sbr.rel @p0 .LBB2_1-.Ltmp1, $4  }
0x71: {  	[sflag:s4] =	ssyncadd.s32 $0xFFFFC000  }
0x72: {  	[hbm4b:s25+s3] =	stream.linear.scatter [tilespmem:s11], [sflag:$0x2], $0x4000, $0x38;
	[tilespmem:$0x8400] =	vst v63  }
0x73: {  	_ =	swait.ge [sflag:s4], $0x4000  }
0x74: {  	[sflag:s4] =	ssyncset.done $0x0  }
.LBB2_2:
0x75: {  	[sflag:s4] =	ssyncadd.s32 $0xFFFFC000  }
0x76: {  	_ =	sfence.sel $0x180000  }
0x77: {  	[bflag:$0x0] =	sbarrier.arrive $0xFFFF  }
0x78: {  	p0 =	sne.s32 s0, $0x0;
	_ =	strace $0x9000004A  }
0x79: {  	s0 =	sadd.s32 @!p0 $0x100000, s1;
	[bflag:$0x2] =	sbarrier.arrive $0xFFFF  }
0x7a: {  	[sflag:s0] =	ssyncadd.tile.s32 @!p0 $0x1;
	_ =	shalt  }
.Lfunc_end2:
_tile_overlayer_lowered:
.L_overlay_start_2:
0x7b: {  	(tag) =	ssettag $0x2  }
0x7c: {  	s0 =	rddreg [dreg:$0x0];
	s2 =	stileid.u32  }
0x7d: {  	s1 =	rddreg [dreg:$0x1];
	p0 =	sne.s32 s2, $0x0  }
0x7e: {  	s3 =	rddreg [dreg:$0x2];
	[bflag:$0x3] =	sbarrier.arrive $0xFFFF;
	s2 =	simm.s32 @!p0 $0x1C02  }
0x7f: {  	[timem:s3], [sflag:s2] =	dma.local @!p0 [hbm:s0], s1  }
0x80: {  	s0 =	simm.s32 @!p0 $0x2  }
0x81: {  	_ =	swait.ge @!p0 [sflag:s0], s1  }
0x82: {  	s1 =	ssub.s32 @!p0 $0x0, s1;
	[sflag:s0] =	ssyncset.done @!p0 $0x0  }
0x83: {  	[sflag:s0] =	ssyncadd.s32 @!p0 s1  }
0x84: {  	[bflag:$0x3] =	sbarrier.arrive $0xFFFF  }
0x85: {  	_ =	shalt  }

// kernel: sparse-core-data-format-call.cloned.1.call-start
scs
called_computation_lowered:
.L_overlay_start_0:
0x0: {  	s2 =	sld [smem:$0x3FD9]  }
0x1: {  	s3 =	sld [smem:$0x3FFE];
	_ =	sdelay $0x1  }
0x2: {  	s1 =	srdreg.scid  }
0x3: {  	s0 =	sand.u32 $0x1, s1  }
0x4: {  	s18 =	sshll.u32 s0, $0xA;
	s2 =	sadd.s32 s3, s2  }
0x5: {  	s2 =	sadd.s32 s2, s18  }
0x6: {  	[smem:$0x3FC4] =	sst s2  }
0x7: {  	_ = 	snop  }
0x8: {  	s2 =	sld [smem:$0x3FC6];
	(tm) =	ssettm $0x1  }
0x9: {  	s19 =	sld [smem:$0x3FFB];
	_ =	sdelay $0x3  }
0xa: {  	_ =	strace s19  }
0xb: {  	s3 =	sld [smem:$0x3FFC];
	_ =	sdelay $0x3  }
0xc: {  	_ =	strace s3  }
0xd: {  	s3 =	sld [smem:$0x3FFD];
	_ =	sdelay $0x3  }
0xe: {  	_ =	strace s3  }
0xf: {  	_ =	strace $0x8FFFFFFF  }
0x10: {  	s20 =	sld [smem:$0x3FDB];
	_ =	sdelay $0x1  }
0x11: {  	s4 =	simm.s32 $_scs_section_size  }
0x12: {  	s5 =	simm.s32 $_size__tile_overlayer_lowered;
	s6 =	simm.s32 $_tile_overlayer_lowered  }
0x13: {  	s23 =	simm.s32 $0x1BFF;
	s22 =	sshll.u32 s6, $0x1;
	s3 =	sadd.s32 s4, s20  }
0x14: {  	s7 =	simm.s32 $0x0;
	s21 =	sshll.u32 s5, $0x1;
	s5 =	sadd.s32 s22, s3  }
0x15: {  	[timem:s7], [sflag:s23] =	dma.local [hbm:s5], s21  }
0x16: {  	_ =	swait.ge [sflag:s23], s21  }
0x17: {  	s4 =	ssub.s32 $0x0, s21;
	[sflag:s23] =	ssyncset.done $0x0  }
0x18: {  	[sflag:s23] =	ssyncadd.s32 s4;
	_ =	sdelay $0x1  }
0x19: {  	s24 =	simm.s32 $0x1B8B  }
0x1a: {  	_ =	swait.ge [sflag:s24], $0x1  }
0x1b: {  	[sflag:s24] =	ssyncset.done $0x0  }
0x1c: {  	s26 =	simm.s32 $0x1B8E;
	s25 =	sld [smem:$0x3FFE];
	[sflag:s24] =	ssyncadd.s32 $0xFFFFFFFF  }
0x1d: {  	s27 =	simm.s32 $execute0_lowered;
	[smem:$0x3FD2] =	sst s26  }
0x1e: {  	s5 =	sshll.u32 s27, $0x1;
	_ =	strace $0x80000046;
	[dreg:$0x1] =	wrdreg $0xFFFFFFFF  }
0x1f: {  	s28 =	simm.s32 $_size_execute0_lowered;
	s3 =	sadd.s32 s3, s5;
	[dreg:$0x0] =	wrdreg $0x0  }
0x20: {  	s5 =	sshll.u32 s28, $0x1;
	[dreg:$0x2] =	wrdreg s3  }
0x21: {  	[dreg:$0x3] =	wrdreg s5  }
0x22: {  	[dreg:$0x4] =	wrdreg $0xC0  }
0x23: {  	_ =	task [dreg:s7], $0x5FFFF  }
0x24: {  	[dreg:$0x1] =	wrdreg $0xFFFFFFFF  }
0x25: {  	[dreg:$0x0] =	wrdreg $0x60  }
0x26: {  	[dreg:$0x2] =	wrdreg s2  }
0x27: {  	[dreg:$0x3] =	wrdreg s25  }
0x28: {  	[dreg:$0x4] =	wrdreg $0x9  }
0x29: {  	_ =	task.clear_ibuf [dreg:s7], $0x5FFFF;
	_ =	strace $0x90000046  }
0x2a: {  	s29 =	simm.s32 $0x9;
	_ =	strace $0x80000048  }
0x2b: {  	_ =	swait.ge [sflag:s29], $0x1  }
0x2c: {  	[sflag:s29] =	ssyncadd.s32 $0xFFFFFFFF  }
0x2d: {  	_ =	strace $0x90000048  }
0x2e: {  	_ =	sfence  }
0x2f: {  	s30 =	sld [smem:$0x0];
	_ =	sdelay $0x2  }
0x30: {  	s31 =	sshll.u32 s1, $0xD;
	s1 =	sshrl.u32 s1, $0x2  }
0x31: {  	s3 =	sand.u32 $0x4000, s31;
	s1 =	sadd.s32 s1, s30  }
0x32: {  	s0 =	sor.u32 s3, s0;
	s1 =	sshll.u32 s1, $0x11  }
0x33: {  	s0 =	sor.u32 s1, s0  }
0x34: {  	s0 =	sadd.s32 $0x8F2B, s0  }
0x35: {  	[sflag:s0] =	ssyncadd.remote.s32 $0x1  }
0x36: {  	_ =	sfence.sel $0xFFFF  }
0x37: {  	[dreg:$0x0] =	wrdreg $0xFFFFFFFF;
	(pc) =	sbr.abs _section_cstart, $3  }
0x38: {  	[dreg:$0x1] =	wrdreg $0xFFFFFFFF  }
0x39: {  	_ =	task.clear_ibuf [dreg:s7], $0x2FFFF;
	_ =	strace $0x9FFFFFFF  }
0x3a: {  	(tm) =	ssettm $0x7FFFFFFF  }
0x3b: {  	_ =	shalt  }
tec
execute0_lowered:
.L_overlay_start_1:
0x0: {  	(tag) =	ssettag $0x1  }
0x1: {  	s0 =	srdreg.scid;
	s2 =	rddreg [dreg:$0x0]  }
0x2: {  	s5 =	rddreg [dreg:$0x1];
	s1 =	stileid.u32  }
0x3: {  	s4 =	simm.s32 $0x1;
	s6 =	simm.s32 $0x2;
	s17 =	simm.s32 $0x0  }
0x4: {  	p0 =	por $0x0, $0x0;
	s8 =	simm.s32 $0x80;
	s18 =	simm.s32 $0x0  }
0x5: {  	s16 =	simm.s32 $0x0;
	s9 =	simm.s32 $0x0;
	s0 =	sshll.u32 s0, $0x4  }
0x6: {  	s10 =	simm.s32 $0x0;
	s11 =	simm.s32 $0x0;
	s3 =	sand.u32 $0x10, s0  }
.Ltmp0:
0x7: {  	s13 =	simm.s32 $0x0;
	s3 =	sor.u32 s1, s3;
	(pc) =	sbr.rel .LBB1_1-.Ltmp0, $4  }
0x8: {  	s0 =	rddreg [dreg:$0x2];
	_ =	strace $0x80000047;
	s3 =	sshll.u32 s3, $0x7  }
0x9: {  	s14 =	simm.s32 $0x0;
	[sflag:s4] =	ssyncpa.u1 $0x0;
	s7 =	ssub.s32 $0xF4200, s3  }
0xa: {  	s15 =	simm.s32 $0x0;
	[sflag:s6] =	ssyncpa.u1 $0x0;
	s6 =	sshrl.u32 s7, $0xC  }
0xb: {  	s5 =	sadd.s32 $0x1000, s5;
	s12 =	smov.u32 s3;
	s7 =	sadd.s32 $0x2, s6  }
.LBB1_7:
0xc: {  	p1 =	slt.u32 s15, $0x2  }
0xd: {  	s19 =	smov.u32 s17;
	p2 =	sgt.s32 @!p1 s17, $0xF41C0  }
0xe: {  	s20 =	sshra.s32 @!p1 s17, $0x1F;
	s21 =	sshra.s32 @!p1 s18, $0x1F;
	p2 =	por !p2, p1  }
0xf: {  	s17 =	sand.u32 @!p1 s20, s17;
	s19 =	simm.s32 @p2 $0xF41C0;
	p2 =	sgt.s32 @!p1 s18, $0x70  }
0x10: {  	s20 =	smov.u32 s18;
	s18 =	sand.u32 @!p1 s21, s18;
	p2 =	por !p2, p1  }
0x11: {  	s21 =	ssub.s32 @!p1 $0x0, s16;
	s17 =	ssub.s32 @!p1 s19, s17;
	s20 =	simm.s32 @p2 $0x70  }
0x12: {  	s16 =	smin.u32 @!p1 s16, s21;
	s19 =	sadd.s32 @!p1 $0xFFF0BE40, s17;
	s18 =	ssub.s32 @!p1 s20, s18  }
0x13: {  	p2 =	sgt.s32 @!p1 s16, $0x1;
	s16 =	ssub.s32 @!p1 $0x2, s16;
	s20 =	sadd.s32 @!p1 $0xFFFFFF90, s18  }
0x14: {  	s17 =	ssub.s32 @!p1 $0xF4240, s17;
	p2 =	por !p2, p1;
	p3 =	sgt.s32 @!p1 s20, $0xF  }
0x15: {  	s16 =	simm.s32 @!p2 $0x0;
	s18 =	ssub.s32 @!p1 $0x80, s18;
	p2 =	por !p3, p1  }
0x16: {  	s20 =	smov.u32 s13;
	p3 =	sgt.s32 @!p1 s19, $0x7F;
	s18 =	simm.s32 @!p2 $0x0  }
0x17: {  	s19 =	sadd.s32 $0x1000, s12;
	p2 =	por !p3, p1;
	s16 =	smul.u32 @!p1 s16, s18  }
0x18: {  	s17 =	simm.s32 @!p2 $0x0;
	p2 =	sgt.s32 s19, $0xF423F;
	s18 =	sadd.s32 $0x10, s13  }
0x19: {  	s21 =	smov.u32 s14;
	s20 =	smov.u32 @p2 s18  }
0x1a: {  	s16 =	smul.u32 @!p1 s17, s16;
	p3 =	sgt.s32 s20, $0xF;
	s17 =	sadd.s32 $0x2, s14  }
0x1b: {  	p0 =	por !p0, !p0;
	s22 =	simm.s32 @!p1 $0x2;
	s21 =	smov.u32 @p3 s17  }
0x1c: {  	s19 =	smov.u32 @p2 s3;
	s18 =	smov.u32 s10;
	p2 =	sgt.s32 s21, $0x1  }
0x1d: {  	s10 =	smov.u32 s13;
	s21 =	simm.s32 @p2 $0x0;
	p2 =	sne.s32 s15, s7  }
.Ltmp1:
0x1e: {  	s20 =	simm.s32 @p3 $0x0;
	s17 =	smov.u32 s9;
	(pc) =	sbr.rel @!p2 .LBB1_8-.Ltmp1, $4  }
0x1f: {  	s9 =	smov.u32 s12;
	s12 =	smov.u32 s19;
	s16 =	sand.u32 @!p1 $0x3FFFFFFF, s16  }
0x20: {  	s13 =	smov.u32 s20;
	_ =	swait.ge @!p1 [sflag:s22], s16;
	s23 =	ssub.s32 @!p1 $0x0, s16  }
0x21: {  	s16 =	smov.u32 s11;
	s15 =	sadd.s32 $0x1, s15;
	[sflag:s22] =	ssyncset.done @!p1 $0x0  }
0x22: {  	s11 =	smov.u32 s14;
	s14 =	smov.u32 s21;
	[sflag:s22] =	ssyncadd.s32 @!p1 s23  }
.LBB1_1:
0x23: {  	p1 =	sgt.u32 s15, s6  }
0x24: {  	s19 =	sshrl.u32 @!p1 s13, $0x3  }
0x25: {  	s20 =	sshll.u32 @!p1 s12, $0x3;
	s19 =	smul.u32 @!p1 $0x7A1400, s19  }
0x26: {  	s21 =	sshll.u32 @!p1 s13, $0x7;
	s20 =	sand.u32 @!p1 $0xFFFFFC00, s20  }
0x27: {  	s19 =	sadd.s32 @!p1 s19, s20;
	s20 =	sand.u32 @!p1 $0x380, s21  }
0x28: {  	s21 =	sand.u32 @!p1 $0x7F, s12;
	s19 =	sor.u32 @!p1 s20, s19  }
0x29: {  	s20 =	sor.u32 @!p1 s21, s19  }
0x2a: {  	s21 =	smulhi.u32 @!p1 $0x218D6287, s20  }
0x2b: {  	s19 =	smulhi.u32 @!p1 $0x218D6287, s19  }
0x2c: {  	s21 =	sshrl.u32 @!p1 s21, $0x11  }
0x2d: {  	s19 =	sshrl.u32 @!p1 s19, $0x11;
	s21 =	smul.u32 @!p1 $0xF4280, s21  }
0x2e: {  	s22 =	sxor.u32 @!p1 $0xFFFFFFFF, s15;
	s23 =	smul.u32 @!p1 $0x1E8500, s14;
	s19 =	sand.u32 @!p1 $0xF, s19  }
0x2f: {  	s22 =	sshll.u32 @!p1 s22, $0xC;
	s19 =	smul.u32 @!p1 $0x1E850, s19;
	s20 =	ssub.s32 @!p1 s20, s21  }
0x30: {  	s21 =	sand.u32 @!p1 $0x1000, s22;
	s22 =	sadd.s32 @!p1 s2, s23;
	s23 =	sand.u32 @!p1 $0x7, s20  }
0x31: {  	s20 =	sshrl.u32 @!p1 s20, $0x3;
	s19 =	sadd.s32 @!p1 s19, s22;
	s22 =	sshll.u32 @!p1 s23, $0x12  }
0x32: {  	s19 =	sadd.s32 @!p1 s20, s19;
	s20 =	sor.u32 @!p1 $0x400, s22;
	s22 =	simm.s32 @!p1 $0x7A1400  }
0x33: {  	[tilespmem:s21], [sflag:$0x1] =	stream.strided.gather @!p1 [hbm4b:s19+s20], $0x1000, s22, s20, $0x38;
	[tilespmem:$0x4200] =	vst v63  }
0x34: {  	p1 =	seq.s32 s15, $0x0  }
0x35: {  	p2 =	sge.u32 @!p1 s15, s7  }
0x36: {  	p1 =	por p1, p2  }
.Ltmp2:
0x37: {  	_ = 	snop;
	(pc) =	sbr.rel @p1 .LBB1_7-.Ltmp2, $1  }
0x38: {  	_ =	sdelay $0x3  }
0x39: {  	s19 =	simm.s32 $0x1;
	s21 =	sand.u32 $0x1, s15  }
0x3a: {  	_ =	swait.ge [sflag:s4], $0x1000;
	s19 =	simm.s32 @!p0 $0x0;
	s21 =	smul.u32 $0x4400, s21  }
0x3b: {  	p2 =	por $0x1, $0x1;
	[sflag:s4] =	ssyncset.done $0x0;
	s20 =	smul.u32 $0x4400, s19  }
0x3c: {  	s22 =	sshll.u32 s19, $0xE;
	[sflag:s4] =	ssyncadd.s32 $0xFFFFF000;
	s30 =	sshrl.u32 s21, $0x2  }
0x3d: {  	s31 =	sshrl.u32 s22, $0x2;
	s22 =	simm.s32 $0x0;
	s20 =	sshrl.u32 s20, $0x2  }
0x3e: {  	s19 =	sor.u32 $0x2000, s30;
	s21 =	sadd.s32 $0x40, s31;
	s20 =	sor.u32 $0x2000, s20  }
.LBB1_3:
0x3f: {  	s23 =	sshll.u32 s22, $0xB  }
0x40: {  	s23 =	sand.u32 $0x3FFFF800, s23  }
0x41: {  	s24 =	sadd.s32 s23, s21  }
0x42: {  	s31 =	sand.u32 $0x1, s22;
	v0 =	vld [tilespmem:s24+$0x30]  }
0x43: {  	s22 =	simm.s32 $0x11;
	p1 =	seq.s32 s31, $0x1;
	v1 =	vld [tilespmem:s24+$0xFFFFFFD0]  }
0x44: {  	s22 =	simm.s32 @!p1 $0x0;
	v5 =	vld [tilespmem:s24+$0xFFFFFFE0]  }
0x45: {  	s22 =	sadd.s32 s22, s20;
	v6 =	vld [tilespmem:s24+$0xFFFFFFF0]  }
0x46: {  	v2 =	vld [tilespmem:s24+$0x0];
	s23 =	sadd.s32 $0x0, s22  }
0x47: {  	v3 =	vld [tilespmem:s24+$0x10];
	[tilespmem:s23+$0xEE0 ss:$0x22] =	vst.msk $0xffff, v0  }
0x48: {  	v4 =	vld [tilespmem:s24+$0x20];
	[tilespmem:s23+$0x220 ss:$0x22] =	vst.msk $0xffff, v1  }
0x49: {  	v0 =	vld [tilespmem:s24+$0xFFFFFFC0];
	[tilespmem:s23+$0x440 ss:$0x22] =	vst.msk $0xffff, v5;
	s24 =	sadd.s32 $0x80, s24  }
0x4a: {  	s25 =	simm.s32 $0x4;
	s26 =	simm.s32 $0x8;
	p1 =	por p2, p2;
	[tilespmem:s23+$0x660 ss:$0x22] =	vst.msk $0xffff, v6;
	v1 =	vld [tilespmem:s24+$0x30]  }
.LBB1_4:
0x4b: {  	p2 =	sne.s32 s26, $0x3C;
	v5 =	vld [tilespmem:s24+$0xFFFFFFD0];
	[tilespmem:s23+$0x880 ss:$0x22] =	vst.msk $0xffff, v2  }
0x4c: {  	v6 =	vld [tilespmem:s24+$0xFFFFFFE0];
	[tilespmem:s23+$0xAA0 ss:$0x22] =	vst.msk $0xffff, v3  }
0x4d: {  	s27 =	sshra.s32 s25, $0x2;
	s25 =	smov.u32 s26;
	v7 =	vld [tilespmem:s24+$0xFFFFFFF0];
	[tilespmem:s23+$0xCC0 ss:$0x22] =	vst.msk $0xffff, v4  }
.Ltmp3:
0x4e: {  	v2 =	vld [tilespmem:s24+$0x0];
	[tilespmem:s23+$0x0 ss:$0x22] =	vst.msk $0xffff, v0;
	s23 =	sadd.s32 s27, s22;
	(pc) =	sbr.rel @p2 .LBB1_4-.Ltmp3, $4  }
0x4f: {  	v3 =	vld [tilespmem:s24+$0x10];
	[tilespmem:s23+$0xEE0 ss:$0x22] =	vst.msk $0xffff, v1  }
0x50: {  	[tilespmem:s23+$0x220 ss:$0x22] =	vst.msk $0xffff, v5;
	v4 =	vld [tilespmem:s24+$0x20]  }
0x51: {  	v0 =	vld [tilespmem:s24+$0xFFFFFFC0];
	[tilespmem:s23+$0x440 ss:$0x22] =	vst.msk $0xffff, v6;
	s24 =	sadd.s32 $0x80, s24  }
0x52: {  	s26 =	sadd.s32 $0x4, s26;
	v1 =	vld [tilespmem:s24+$0x30];
	[tilespmem:s23+$0x660 ss:$0x22] =	vst.msk $0xffff, v7  }
0x53: {  	v5 =	vld [tilespmem:s24+$0xFFFFFFD0];
	[tilespmem:s23+$0x880 ss:$0x22] =	vst.msk $0xffff, v2  }
0x54: {  	v58 =	vld [tilespmem:s24+$0xFFFFFFE0];
	[tilespmem:s23+$0xAA0 ss:$0x22] =	vst.msk $0xffff, v3  }
0x55: {  	s25 =	sshra.s32 s25, $0x2;
	v59 =	vld [tilespmem:s24+$0xFFFFFFF0];
	[tilespmem:s23+$0xCC0 ss:$0x22] =	vst.msk $0xffff, v4  }
0x56: {  	v60 =	vld [tilespmem:s24+$0x0];
	s22 =	sadd.s32 s25, s22;
	[tilespmem:s23+$0x0 ss:$0x22] =	vst.msk $0xffff, v0  }
0x57: {  	v61 =	vld [tilespmem:s24+$0x10];
	[tilespmem:s22+$0xEE0 ss:$0x22] =	vst.msk $0xffff, v1  }
0x58: {  	v62 =	vld [tilespmem:s24+$0x20];
	[tilespmem:s22+$0x220 ss:$0x22] =	vst.msk $0xffff, v5  }
0x59: {  	v63 =	vld [tilespmem:s24+$0xFFFFFFC0];
	[tilespmem:s22+$0x440 ss:$0x22] =	vst.msk $0xffff, v58  }
.Ltmp4:
0x5a: {  	[tilespmem:s22+$0x660 ss:$0x22] =	vst.msk $0xffff, v59;
	(pc) =	sbr.rel @p1 .LBB1_3-.Ltmp4, $4  }
0x5b: {  	[tilespmem:s22+$0x880 ss:$0x22] =	vst.msk $0xffff, v60  }
0x5c: {  	[tilespmem:s22+$0xAA0 ss:$0x22] =	vst.msk $0xffff, v61  }
0x5d: {  	[tilespmem:s22+$0xCC0 ss:$0x22] =	vst.msk $0xffff, v62  }
0x5e: {  	p2 =	por $0x0, $0x0;
	[tilespmem:s22+$0x0 ss:$0x22] =	vst.msk $0xffff, v63;
	s22 =	simm.s32 $0x1  }
0x5f: {  	p1 =	sgt.s32 s9, $0xF41C0  }
0x60: {  	s20 =	smov.u32 s9;
	s21 =	sshra.s32 s9, $0x1F;
	s22 =	smov.u32 s10  }
0x61: {  	s23 =	sshra.s32 s10, $0x1F;
	s24 =	ssub.s32 $0x0, s11;
	s25 =	sshll.u32 s11, $0x4  }
0x62: {  	s26 =	sshll.u32 s9, $0x5;
	s20 =	simm.s32 @!p1 $0xF41C0;
	p1 =	sgt.s32 s10, $0x70  }
0x63: {  	s27 =	sshrl.u32 s10, $0x3;
	s23 =	sand.u32 s23, s10;
	s22 =	simm.s32 @!p1 $0x70  }
0x64: {  	s21 =	sand.u32 s21, s9;
	s24 =	smin.u32 s11, s24;
	s22 =	ssub.s32 s22, s23  }
0x65: {  	s20 =	ssub.s32 s20, s21;
	p1 =	sgt.s32 s24, $0x1;
	s31 =	sadd.s32 $0xFFFFFF90, s22  }
0x66: {  	s23 =	ssub.s32 $0x2, s24;
	s21 =	ssub.s32 $0x80, s22;
	p2 =	sgt.s32 s31, $0xF  }
0x67: {  	s24 =	sadd.s32 $0xFFF0BE40, s20;
	s23 =	simm.s32 @p1 $0x0;
	s21 =	simm.s32 @p2 $0x0  }
0x68: {  	s20 =	ssub.s32 $0xF4240, s20;
	p1 =	sgt.s32 s24, $0x7F;
	s21 =	smul.u32 s23, s21  }
.Ltmp5:
0x69: {  	s22 =	sand.u32 $0x10, s25;
	s20 =	simm.s32 @p1 $0x0;
	(pc) =	sbr.rel .LBB1_7-.Ltmp5, $4  }
0x6a: {  	s28 =	sand.u32 $0x7, s10;
	s22 =	sadd.s32 s5, s22;
	s20 =	smul.u32 s20, s21  }
0x6b: {  	s29 =	sand.u32 $0xF, s27;
	s30 =	sshll.u32 s28, $0x12;
	s21 =	sadd.s32 s26, s22  }
0x6c: {  	s31 =	sor.u32 $0x10, s30;
	s21 =	sadd.s32 s29, s21;
	s20 =	sand.u32 $0x3FFFFFFF, s20  }
0x6d: {  	[hbm4b:s21+s31] =	stream.strided.scatter [tilespmem:s19], [sflag:$0x2], s20, s8, s31, $0x8;
	[tilespmem:$0x4200] =	vst v63  }
.LBB1_8:
0x6e: {  	_ =	sfence.sel $0x180000  }
0x6f: {  	s2 =	simm.s32 $0x1;
	[bflag:$0x0] =	sbarrier.arrive $0xFFFF  }
0x70: {  	s31 =	simm.s32 $0x2;
	[sflag:s2] =	ssyncpa.u1 $0x1  }
0x71: {  	[sflag:s31] =	ssyncpa.u1 $0x1  }
0x72: {  	p0 =	sne.s32 s1, $0x0;
	_ =	strace $0x90000047  }
0x73: {  	s0 =	sadd.s32 @!p0 $0x100000, s0;
	[bflag:$0x2] =	sbarrier.arrive $0xFFFF  }
0x74: {  	[sflag:s0] =	ssyncadd.tile.s32 @!p0 $0x1;
	_ =	shalt  }
.Lfunc_end1:
_tile_overlayer_lowered:
.L_overlay_start_2:
0x75: {  	(tag) =	ssettag $0x2  }
0x76: {  	s0 =	rddreg [dreg:$0x0];
	s2 =	stileid.u32  }
0x77: {  	s1 =	rddreg [dreg:$0x1];
	p0 =	sne.s32 s2, $0x0  }
0x78: {  	s3 =	rddreg [dreg:$0x2];
	[bflag:$0x3] =	sbarrier.arrive $0xFFFF;
	s2 =	simm.s32 @!p0 $0x1C01  }
0x79: {  	[timem:s3], [sflag:s2] =	dma.local @!p0 [hbm:s0], s1  }
0x7a: {  	s0 =	simm.s32 @!p0 $0x1  }
0x7b: {  	_ =	swait.ge @!p0 [sflag:s0], s1  }
0x7c: {  	s1 =	ssub.s32 @!p0 $0x0, s1;
	[sflag:s0] =	ssyncset.done @!p0 $0x0  }
0x7d: {  	[sflag:s0] =	ssyncadd.s32 @!p0 s1  }
0x7e: {  	[bflag:$0x3] =	sbarrier.arrive $0xFFFF  }
0x7f: {  	_ =	shalt  }

</sc_bundles>
